<compile_context>
chip_gen: v7x
topology: tpu7x:2x2x1
jax: 0.10.2.dev20260603
libtpu: 0.0.44.dev20260713+nightly
codegen_flags: <defaults>
</compile_context>

<pallas_src>
import functools

import jax
import jax.numpy as jnp
from jax import lax
from jax.experimental import pallas as pl
from jax.experimental.pallas import tpu as pltpu
from jax.experimental.pallas import tpu_sc as plsc

N_POINTS = 100000
C = 256
BLK = 16384
_GATHER_PAD = 8


def _sc_context_body(table_hbm, idx_hbm, bin_hbm, out_hbm, idx_v, rows_v, bin_v, sem):
    wid = lax.axis_index("s") * 2 + lax.axis_index("c")

    @pl.when(wid == 0)
    def _():
        pltpu.sync_copy(idx_hbm, idx_v)
        pltpu.async_copy(table_hbm.at[idx_v], rows_v, sem).wait()
        pltpu.sync_copy(bin_hbm, bin_v)
        for j in range(C // 16):
            sl = pl.ds(j * 16, 16)
            rows_v[0, sl] = rows_v[0, sl] + bin_v[sl]
        pltpu.sync_copy(rows_v.at[pl.ds(0, 1)], out_hbm)


def _sc_context(embedding_table, idx8, b_in):
    mesh = plsc.VectorSubcoreMesh(core_axis_name="c", subcore_axis_name="s")
    fn = functools.partial(
        pl.kernel,
        mesh=mesh,
        out_type=jax.ShapeDtypeStruct((1, C), jnp.float32),
        scratch_types=[
            pltpu.VMEM((_GATHER_PAD,), jnp.int32),
            pltpu.VMEM((_GATHER_PAD, C), jnp.float32),
            pltpu.VMEM((C,), jnp.float32),
            pltpu.SemaphoreType.DMA,
        ],
    )(_sc_context_body)
    return fn(embedding_table, idx8, b_in)


def _mlp_body(ctx_ref, coord_ref, win_ref, wout_ref, bout_ref, out_ref):
    h = (
        jax.lax.dot_general(
            coord_ref[...],
            win_ref[...],
            (((0,), (0,)), ((), ())),
            preferred_element_type=jnp.float32,
        )
        + ctx_ref[...]
    )
    h = jnp.maximum(h, 0.0)
    out_ref[...] = (
        jnp.dot(h, wout_ref[...], preferred_element_type=jnp.float32) + bout_ref[...]
    )


def kernel(coord, condition_idx, embedding_table, W_in, b_in, W_out, b_out):
    idx8 = jnp.broadcast_to(condition_idx.astype(jnp.int32), (_GATHER_PAD,))
    ctx = _sc_context(embedding_table, idx8, b_in)
    coord_t = coord.T
    return pl.pallas_call(
        _mlp_body,
        grid=((N_POINTS + BLK - 1) // BLK,),
        in_specs=[
            pl.BlockSpec((1, C), lambda i: (0, 0)),
            pl.BlockSpec((3, BLK), lambda i: (0, i)),
            pl.BlockSpec((3, C), lambda i: (0, 0)),
            pl.BlockSpec((C, C), lambda i: (0, 0)),
            pl.BlockSpec((1, C), lambda i: (0, 0)),
        ],
        out_specs=pl.BlockSpec((BLK, C), lambda i: (i, 0)),
        out_shape=jax.ShapeDtypeStruct((N_POINTS, C), jnp.float32),
        compiler_params=pltpu.CompilerParams(dimension_semantics=("arbitrary",)),
    )(ctx, coord_t, W_in, W_out, b_out.reshape(1, C))

# --- scband reference (transcript-rebuilt; emitter-appended) ---
"""Pipeline reference for scband-ppt-43636867728106 (READ-ONLY COPY).

The authoritative reference and input builder live on the scoring server;
editing this copy changes nothing except your own understanding.
"""

import jax, jax.numpy as jnp
import numpy as np

N_POINTS = 100000
N_CONDITIONS = 3
CONTEXT_CHANNELS = 256

def setup_inputs(seed: int = 0) -> dict:
    key = jax.random.key(seed)
    k_coord, k_tab, k_win, k_bin, k_wout, k_bout, k_idx = jax.random.split(key, 7)
    coord = jax.random.normal(k_coord, (N_POINTS, 3), dtype=jnp.float32)
    condition_idx = jax.random.randint(k_idx, (1,), 0, N_CONDITIONS, dtype=jnp.int64)
    # Learned parameters: PPT embedding table + a simple point-MLP backbone
    embedding_table = jax.random.normal(k_tab, (N_CONDITIONS, CONTEXT_CHANNELS), dtype=jnp.float32) * 0.02
    W_in = jax.random.normal(k_win, (3, CONTEXT_CHANNELS), dtype=jnp.float32) * (1.0 / np.sqrt(3.0))
    b_in = jnp.zeros((CONTEXT_CHANNELS,), dtype=jnp.float32)
    W_out = jax.random.normal(k_wout, (CONTEXT_CHANNELS, CONTEXT_CHANNELS), dtype=jnp.float32) * (1.0 / np.sqrt(CONTEXT_CHANNELS))
    b_out = jnp.zeros((CONTEXT_CHANNELS,), dtype=jnp.float32)
    return {"coord": coord, "condition_idx": condition_idx, "embedding_table": embedding_table,
            "W_in": W_in, "b_in": b_in, "W_out": W_out, "b_out": b_out}

def reference(coord, condition_idx, embedding_table, W_in, b_in, W_out, b_out):
    # PPT: look up the per-dataset context embedding (embedding_lookup op)
    context = jnp.take(embedding_table, condition_idx, axis=0)  # [1, C]
    # batch_dict['context'] = context; backbone consumes coord + context
    h = coord @ W_in + b_in + context  # broadcast context to all points
    h = jax.nn.relu(h)
    out = h @ W_out + b_out
    return out

if __name__ == "__main__":
    import jax
    _d = setup_inputs()
    print(jax.jit(kernel)(*tuple(_d.values())))

</pallas_src>

<mosaic_0001>
#map = affine_map<(d0, d1) -> (0, 0)>
#map1 = affine_map<(d0, d1) -> (0)>
module attributes {stable_mosaic.version = 14 : i64} {
  func.func @_sc_context_body(%arg0: i32, %arg1: i32, %arg2: memref<3x256xf32, #tpu.memory_space<hbm>>, %arg3: memref<8xi32, #tpu.memory_space<hbm>>, %arg4: memref<256xf32, #tpu.memory_space<hbm>>, %arg5: memref<1x256xf32, #tpu.memory_space<hbm>>, %arg6: memref<8xi32, #tpu.memory_space<vmem>>, %arg7: memref<8x256xf32, #tpu.memory_space<vmem>>, %arg8: memref<256xf32, #tpu.memory_space<vmem>>, %arg9: memref<!tpu.dma_semaphore, #tpu.memory_space<semaphore_mem>>) attributes {dimension_semantics = [#tpu.dimension_semantics<core_parallel>, #tpu.dimension_semantics<subcore_parallel>], iteration_bounds = array<i64: 2, 16>, scalar_prefetch = 0 : i64, scratch_operands = 4 : i64, tpu.core_type = #tpu.core_type<sc_vector_subcore>, window_params = [{transform_indices = #map}, {transform_indices = #map1}, {transform_indices = #map1}, {transform_indices = #map}]} {
    %mul3A = arith.constant 2 : i32
    %mul3A_0 = arith.muli %arg1, %mul3A : i32
    %add3A = arith.addi %mul3A_0, %arg0 : i32
    %eq3A = arith.constant 0 : i32
    %eq3A_1 = arith.cmpi eq, %add3A, %eq3A : i32
    %convert_element_type3A = arith.extui %eq3A_1 : i1 to i32
    %cond3A = arith.constant 0 : i32
    %cond3A_2 = arith.cmpi ne, %convert_element_type3A, %cond3A : i32
    scf.if %cond3A_2 {
      "tpu.region"() ({
        %run_scoped3A = tpu.sem_alloc : memref<!tpu.dma_semaphore, #tpu.memory_space<semaphore_mem>>
        tpu.enqueue_dma source(%arg3 : memref<8xi32, #tpu.memory_space<hbm>>) target(%arg6 : memref<8xi32, #tpu.memory_space<vmem>>) target_semaphore(%run_scoped3A : memref<!tpu.dma_semaphore, #tpu.memory_space<semaphore_mem>>)
        tpu.wait_dma2 semaphore(%run_scoped3A : memref<!tpu.dma_semaphore, #tpu.memory_space<semaphore_mem>>) src(%arg3 : memref<8xi32, #tpu.memory_space<hbm>>) dst(%arg6 : memref<8xi32, #tpu.memory_space<vmem>>)
        tpu.yield
      }) : () -> ()
      %dma_start3A = arith.constant 0 : i32
      %dma_start3A_3 = arith.constant 0 : i32
      %dma_start3A_4 = tpu.memref_slice %arg2[%dma_start3A, %dma_start3A_3] : memref<3x256xf32, #tpu.memory_space<hbm>> -> memref<3x256xf32, #tpu.memory_space<hbm>>
      tpu.enqueue_indirect_dma source(%dma_start3A_4 : memref<3x256xf32, #tpu.memory_space<hbm>>) target(%arg7 : memref<8x256xf32, #tpu.memory_space<vmem>>) offsets(%arg6 : memref<8xi32, #tpu.memory_space<vmem>>) semaphore(%arg9 : memref<!tpu.dma_semaphore, #tpu.memory_space<semaphore_mem>>)
      %dma_wait3A = arith.constant 0 : i32
      %dma_wait3A_5 = arith.constant 0 : i32
      %dma_wait3A_6 = tpu.memref_slice %arg2[%dma_wait3A, %dma_wait3A_5] : memref<3x256xf32, #tpu.memory_space<hbm>> -> memref<3x256xf32, #tpu.memory_space<hbm>>
      tpu.wait_indirect_dma semaphore(%arg9 : memref<!tpu.dma_semaphore, #tpu.memory_space<semaphore_mem>>) src(%dma_wait3A_6 : memref<3x256xf32, #tpu.memory_space<hbm>>) dst(%arg7 : memref<8x256xf32, #tpu.memory_space<vmem>>)
      "tpu.region"() ({
        %run_scoped3A = tpu.sem_alloc : memref<!tpu.dma_semaphore, #tpu.memory_space<semaphore_mem>>
        tpu.enqueue_dma source(%arg4 : memref<256xf32, #tpu.memory_space<hbm>>) target(%arg8 : memref<256xf32, #tpu.memory_space<vmem>>) target_semaphore(%run_scoped3A : memref<!tpu.dma_semaphore, #tpu.memory_space<semaphore_mem>>)
        tpu.wait_dma2 semaphore(%run_scoped3A : memref<!tpu.dma_semaphore, #tpu.memory_space<semaphore_mem>>) src(%arg4 : memref<256xf32, #tpu.memory_space<hbm>>) dst(%arg8 : memref<256xf32, #tpu.memory_space<vmem>>)
        tpu.yield
      }) : () -> ()
      %get3A = arith.constant 0 : i32
      %get3A_7 = arith.index_cast %get3A : i32 to index
      %get3A_8 = arith.constant 0 : index
      %get3A_9 = tpu.vector_load %arg7[%get3A_7, %get3A_8] {strides = array<i32>} : memref<8x256xf32, #tpu.memory_space<vmem>>, vector<1x16xf32>,
      %get3A_10 = vector.shape_cast %get3A_9 : vector<1x16xf32> to vector<16xf32>
      %get3A_11 = arith.constant 0 : index
      %get3A_12 = tpu.vector_load %arg8[%get3A_11] {strides = array<i32>} : memref<256xf32, #tpu.memory_space<vmem>>, vector<16xf32>,
      %get3A_13 = vector.shape_cast %get3A_12 : vector<16xf32> to vector<16xf32>
      %add3A_14 = arith.addf %get3A_10, %get3A_13 : vector<16xf32>
      %swap3A = arith.constant 0 : i32
      %swap3A_15 = arith.index_cast %swap3A : i32 to index
      %swap3A_16 = arith.constant 0 : index
      %swap3A_17 = tpu.vector_load %arg7[%swap3A_15, %swap3A_16] {strides = array<i32>} : memref<8x256xf32, #tpu.memory_space<vmem>>, vector<1x16xf32>,
      %swap3A_18 = vector.shape_cast %swap3A_17 : vector<1x16xf32> to vector<16xf32>
      %swap3A_19 = vector.shape_cast %add3A_14 : vector<16xf32> to vector<1x16xf32>
      tpu.vector_store %arg7[%swap3A_15, %swap3A_16], %swap3A_19 {strides = array<i32>} : memref<8x256xf32, #tpu.memory_space<vmem>>, vector<1x16xf32>,
      %get3A_20 = arith.constant 0 : i32
      %get3A_21 = arith.index_cast %get3A_20 : i32 to index
      %get3A_22 = arith.constant 16 : index
      %get3A_23 = tpu.vector_load %arg7[%get3A_21, %get3A_22] {strides = array<i32>} : memref<8x256xf32, #tpu.memory_space<vmem>>, vector<1x16xf32>,
      %get3A_24 = vector.shape_cast %get3A_23 : vector<1x16xf32> to vector<16xf32>
      %get3A_25 = arith.constant 16 : index
      %get3A_26 = tpu.vector_load %arg8[%get3A_25] {strides = array<i32>} : memref<256xf32, #tpu.memory_space<vmem>>, vector<16xf32>,
      %get3A_27 = vector.shape_cast %get3A_26 : vector<16xf32> to vector<16xf32>
      %add3A_28 = arith.addf %get3A_24, %get3A_27 : vector<16xf32>
      %swap3A_29 = arith.constant 0 : i32
      %swap3A_30 = arith.index_cast %swap3A_29 : i32 to index
      %swap3A_31 = arith.constant 16 : index
      %swap3A_32 = tpu.vector_load %arg7[%swap3A_30, %swap3A_31] {strides = array<i32>} : memref<8x256xf32, #tpu.memory_space<vmem>>, vector<1x16xf32>,
      %swap3A_33 = vector.shape_cast %swap3A_32 : vector<1x16xf32> to vector<16xf32>
      %swap3A_34 = vector.shape_cast %add3A_28 : vector<16xf32> to vector<1x16xf32>
      tpu.vector_store %arg7[%swap3A_30, %swap3A_31], %swap3A_34 {strides = array<i32>} : memref<8x256xf32, #tpu.memory_space<vmem>>, vector<1x16xf32>,
      %get3A_35 = arith.constant 0 : i32
      %get3A_36 = arith.index_cast %get3A_35 : i32 to index
      %get3A_37 = arith.constant 32 : index
      %get3A_38 = tpu.vector_load %arg7[%get3A_36, %get3A_37] {strides = array<i32>} : memref<8x256xf32, #tpu.memory_space<vmem>>, vector<1x16xf32>,
      %get3A_39 = vector.shape_cast %get3A_38 : vector<1x16xf32> to vector<16xf32>
      %get3A_40 = arith.constant 32 : index
      %get3A_41 = tpu.vector_load %arg8[%get3A_40] {strides = array<i32>} : memref<256xf32, #tpu.memory_space<vmem>>, vector<16xf32>,
      %get3A_42 = vector.shape_cast %get3A_41 : vector<16xf32> to vector<16xf32>
      %add3A_43 = arith.addf %get3A_39, %get3A_42 : vector<16xf32>
      %swap3A_44 = arith.constant 0 : i32
      %swap3A_45 = arith.index_cast %swap3A_44 : i32 to index
      %swap3A_46 = arith.constant 32 : index
      %swap3A_47 = tpu.vector_load %arg7[%swap3A_45, %swap3A_46] {strides = array<i32>} : memref<8x256xf32, #tpu.memory_space<vmem>>, vector<1x16xf32>,
      %swap3A_48 = vector.shape_cast %swap3A_47 : vector<1x16xf32> to vector<16xf32>
      %swap3A_49 = vector.shape_cast %add3A_43 : vector<16xf32> to vector<1x16xf32>
      tpu.vector_store %arg7[%swap3A_45, %swap3A_46], %swap3A_49 {strides = array<i32>} : memref<8x256xf32, #tpu.memory_space<vmem>>, vector<1x16xf32>,
      %get3A_50 = arith.constant 0 : i32
      %get3A_51 = arith.index_cast %get3A_50 : i32 to index
      %get3A_52 = arith.constant 48 : index
      %get3A_53 = tpu.vector_load %arg7[%get3A_51, %get3A_52] {strides = array<i32>} : memref<8x256xf32, #tpu.memory_space<vmem>>, vector<1x16xf32>,
      %get3A_54 = vector.shape_cast %get3A_53 : vector<1x16xf32> to vector<16xf32>
      %get3A_55 = arith.constant 48 : index
      %get3A_56 = tpu.vector_load %arg8[%get3A_55] {strides = array<i32>} : memref<256xf32, #tpu.memory_space<vmem>>, vector<16xf32>,
      %get3A_57 = vector.shape_cast %get3A_56 : vector<16xf32> to vector<16xf32>
      %add3A_58 = arith.addf %get3A_54, %get3A_57 : vector<16xf32>
      %swap3A_59 = arith.constant 0 : i32
      %swap3A_60 = arith.index_cast %swap3A_59 : i32 to index
      %swap3A_61 = arith.constant 48 : index
      %swap3A_62 = tpu.vector_load %arg7[%swap3A_60, %swap3A_61] {strides = array<i32>} : memref<8x256xf32, #tpu.memory_space<vmem>>, vector<1x16xf32>,
      %swap3A_63 = vector.shape_cast %swap3A_62 : vector<1x16xf32> to vector<16xf32>
      %swap3A_64 = vector.shape_cast %add3A_58 : vector<16xf32> to vector<1x16xf32>
      tpu.vector_store %arg7[%swap3A_60, %swap3A_61], %swap3A_64 {strides = array<i32>} : memref<8x256xf32, #tpu.memory_space<vmem>>, vector<1x16xf32>,
      %get3A_65 = arith.constant 0 : i32
      %get3A_66 = arith.index_cast %get3A_65 : i32 to index
      %get3A_67 = arith.constant 64 : index
      %get3A_68 = tpu.vector_load %arg7[%get3A_66, %get3A_67] {strides = array<i32>} : memref<8x256xf32, #tpu.memory_space<vmem>>, vector<1x16xf32>,
      %get3A_69 = vector.shape_cast %get3A_68 : vector<1x16xf32> to vector<16xf32>
      %get3A_70 = arith.constant 64 : index
      %get3A_71 = tpu.vector_load %arg8[%get3A_70] {strides = array<i32>} : memref<256xf32, #tpu.memory_space<vmem>>, vector<16xf32>,
      %get3A_72 = vector.shape_cast %get3A_71 : vector<16xf32> to vector<16xf32>
      %add3A_73 = arith.addf %get3A_69, %get3A_72 : vector<16xf32>
      %swap3A_74 = arith.constant 0 : i32
      %swap3A_75 = arith.index_cast %swap3A_74 : i32 to index
      %swap3A_76 = arith.constant 64 : index
      %swap3A_77 = tpu.vector_load %arg7[%swap3A_75, %swap3A_76] {strides = array<i32>} : memref<8x256xf32, #tpu.memory_space<vmem>>, vector<1x16xf32>,
      %swap3A_78 = vector.shape_cast %swap3A_77 : vector<1x16xf32> to vector<16xf32>
      %swap3A_79 = vector.shape_cast %add3A_73 : vector<16xf32> to vector<1x16xf32>
      tpu.vector_store %arg7[%swap3A_75, %swap3A_76], %swap3A_79 {strides = array<i32>} : memref<8x256xf32, #tpu.memory_space<vmem>>, vector<1x16xf32>,
      %get3A_80 = arith.constant 0 : i32
      %get3A_81 = arith.index_cast %get3A_80 : i32 to index
      %get3A_82 = arith.constant 80 : index
      %get3A_83 = tpu.vector_load %arg7[%get3A_81, %get3A_82] {strides = array<i32>} : memref<8x256xf32, #tpu.memory_space<vmem>>, vector<1x16xf32>,
      %get3A_84 = vector.shape_cast %get3A_83 : vector<1x16xf32> to vector<16xf32>
      %get3A_85 = arith.constant 80 : index
      %get3A_86 = tpu.vector_load %arg8[%get3A_85] {strides = array<i32>} : memref<256xf32, #tpu.memory_space<vmem>>, vector<16xf32>,
      %get3A_87 = vector.shape_cast %get3A_86 : vector<16xf32> to vector<16xf32>
      %add3A_88 = arith.addf %get3A_84, %get3A_87 : vector<16xf32>
      %swap3A_89 = arith.constant 0 : i32
      %swap3A_90 = arith.index_cast %swap3A_89 : i32 to index
      %swap3A_91 = arith.constant 80 : index
      %swap3A_92 = tpu.vector_load %arg7[%swap3A_90, %swap3A_91] {strides = array<i32>} : memref<8x256xf32, #tpu.memory_space<vmem>>, vector<1x16xf32>,
      %swap3A_93 = vector.shape_cast %swap3A_92 : vector<1x16xf32> to vector<16xf32>
      %swap3A_94 = vector.shape_cast %add3A_88 : vector<16xf32> to vector<1x16xf32>
      tpu.vector_store %arg7[%swap3A_90, %swap3A_91], %swap3A_94 {strides = array<i32>} : memref<8x256xf32, #tpu.memory_space<vmem>>, vector<1x16xf32>,
      %get3A_95 = arith.constant 0 : i32
      %get3A_96 = arith.index_cast %get3A_95 : i32 to index
      %get3A_97 = arith.constant 96 : index
      %get3A_98 = tpu.vector_load %arg7[%get3A_96, %get3A_97] {strides = array<i32>} : memref<8x256xf32, #tpu.memory_space<vmem>>, vector<1x16xf32>,
      %get3A_99 = vector.shape_cast %get3A_98 : vector<1x16xf32> to vector<16xf32>
      %get3A_100 = arith.constant 96 : index
      %get3A_101 = tpu.vector_load %arg8[%get3A_100] {strides = array<i32>} : memref<256xf32, #tpu.memory_space<vmem>>, vector<16xf32>,
      %get3A_102 = vector.shape_cast %get3A_101 : vector<16xf32> to vector<16xf32>
      %add3A_103 = arith.addf %get3A_99, %get3A_102 : vector<16xf32>
      %swap3A_104 = arith.constant 0 : i32
      %swap3A_105 = arith.index_cast %swap3A_104 : i32 to index
      %swap3A_106 = arith.constant 96 : index
      %swap3A_107 = tpu.vector_load %arg7[%swap3A_105, %swap3A_106] {strides = array<i32>} : memref<8x256xf32, #tpu.memory_space<vmem>>, vector<1x16xf32>,
      %swap3A_108 = vector.shape_cast %swap3A_107 : vector<1x16xf32> to vector<16xf32>
      %swap3A_109 = vector.shape_cast %add3A_103 : vector<16xf32> to vector<1x16xf32>
      tpu.vector_store %arg7[%swap3A_105, %swap3A_106], %swap3A_109 {strides = array<i32>} : memref<8x256xf32, #tpu.memory_space<vmem>>, vector<1x16xf32>,
      %get3A_110 = arith.constant 0 : i32
      %get3A_111 = arith.index_cast %get3A_110 : i32 to index
      %get3A_112 = arith.constant 112 : index
      %get3A_113 = tpu.vector_load %arg7[%get3A_111, %get3A_112] {strides = array<i32>} : memref<8x256xf32, #tpu.memory_space<vmem>>, vector<1x16xf32>,
      %get3A_114 = vector.shape_cast %get3A_113 : vector<1x16xf32> to vector<16xf32>
      %get3A_115 = arith.constant 112 : index
      %get3A_116 = tpu.vector_load %arg8[%get3A_115] {strides = array<i32>} : memref<256xf32, #tpu.memory_space<vmem>>, vector<16xf32>,
      %get3A_117 = vector.shape_cast %get3A_116 : vector<16xf32> to vector<16xf32>
      %add3A_118 = arith.addf %get3A_114, %get3A_117 : vector<16xf32>
      %swap3A_119 = arith.constant 0 : i32
      %swap3A_120 = arith.index_cast %swap3A_119 : i32 to index
      %swap3A_121 = arith.constant 112 : index
      %swap3A_122 = tpu.vector_load %arg7[%swap3A_120, %swap3A_121] {strides = array<i32>} : memref<8x256xf32, #tpu.memory_space<vmem>>, vector<1x16xf32>,
      %swap3A_123 = vector.shape_cast %swap3A_122 : vector<1x16xf32> to vector<16xf32>
      %swap3A_124 = vector.shape_cast %add3A_118 : vector<16xf32> to vector<1x16xf32>
      tpu.vector_store %arg7[%swap3A_120, %swap3A_121], %swap3A_124 {strides = array<i32>} : memref<8x256xf32, #tpu.memory_space<vmem>>, vector<1x16xf32>,
      %get3A_125 = arith.constant 0 : i32
      %get3A_126 = arith.index_cast %get3A_125 : i32 to index
      %get3A_127 = arith.constant 128 : index
      %get3A_128 = tpu.vector_load %arg7[%get3A_126, %get3A_127] {strides = array<i32>} : memref<8x256xf32, #tpu.memory_space<vmem>>, vector<1x16xf32>,
      %get3A_129 = vector.shape_cast %get3A_128 : vector<1x16xf32> to vector<16xf32>
      %get3A_130 = arith.constant 128 : index
      %get3A_131 = tpu.vector_load %arg8[%get3A_130] {strides = array<i32>} : memref<256xf32, #tpu.memory_space<vmem>>, vector<16xf32>,
      %get3A_132 = vector.shape_cast %get3A_131 : vector<16xf32> to vector<16xf32>
      %add3A_133 = arith.addf %get3A_129, %get3A_132 : vector<16xf32>
      %swap3A_134 = arith.constant 0 : i32
      %swap3A_135 = arith.index_cast %swap3A_134 : i32 to index
      %swap3A_136 = arith.constant 128 : index
      %swap3A_137 = tpu.vector_load %arg7[%swap3A_135, %swap3A_136] {strides = array<i32>} : memref<8x256xf32, #tpu.memory_space<vmem>>, vector<1x16xf32>,
      %swap3A_138 = vector.shape_cast %swap3A_137 : vector<1x16xf32> to vector<16xf32>
      %swap3A_139 = vector.shape_cast %add3A_133 : vector<16xf32> to vector<1x16xf32>
      tpu.vector_store %arg7[%swap3A_135, %swap3A_136], %swap3A_139 {strides = array<i32>} : memref<8x256xf32, #tpu.memory_space<vmem>>, vector<1x16xf32>,
      %get3A_140 = arith.constant 0 : i32
      %get3A_141 = arith.index_cast %get3A_140 : i32 to index
      %get3A_142 = arith.constant 144 : index
      %get3A_143 = tpu.vector_load %arg7[%get3A_141, %get3A_142] {strides = array<i32>} : memref<8x256xf32, #tpu.memory_space<vmem>>, vector<1x16xf32>,
      %get3A_144 = vector.shape_cast %get3A_143 : vector<1x16xf32> to vector<16xf32>
      %get3A_145 = arith.constant 144 : index
      %get3A_146 = tpu.vector_load %arg8[%get3A_145] {strides = array<i32>} : memref<256xf32, #tpu.memory_space<vmem>>, vector<16xf32>,
      %get3A_147 = vector.shape_cast %get3A_146 : vector<16xf32> to vector<16xf32>
      %add3A_148 = arith.addf %get3A_144, %get3A_147 : vector<16xf32>
      %swap3A_149 = arith.constant 0 : i32
      %swap3A_150 = arith.index_cast %swap3A_149 : i32 to index
      %swap3A_151 = arith.constant 144 : index
      %swap3A_152 = tpu.vector_load %arg7[%swap3A_150, %swap3A_151] {strides = array<i32>} : memref<8x256xf32, #tpu.memory_space<vmem>>, vector<1x16xf32>,
      %swap3A_153 = vector.shape_cast %swap3A_152 : vector<1x16xf32> to vector<16xf32>
      %swap3A_154 = vector.shape_cast %add3A_148 : vector<16xf32> to vector<1x16xf32>
      tpu.vector_store %arg7[%swap3A_150, %swap3A_151], %swap3A_154 {strides = array<i32>} : memref<8x256xf32, #tpu.memory_space<vmem>>, vector<1x16xf32>,
      %get3A_155 = arith.constant 0 : i32
      %get3A_156 = arith.index_cast %get3A_155 : i32 to index
      %get3A_157 = arith.constant 160 : index
      %get3A_158 = tpu.vector_load %arg7[%get3A_156, %get3A_157] {strides = array<i32>} : memref<8x256xf32, #tpu.memory_space<vmem>>, vector<1x16xf32>,
      %get3A_159 = vector.shape_cast %get3A_158 : vector<1x16xf32> to vector<16xf32>
      %get3A_160 = arith.constant 160 : index
      %get3A_161 = tpu.vector_load %arg8[%get3A_160] {strides = array<i32>} : memref<256xf32, #tpu.memory_space<vmem>>, vector<16xf32>,
      %get3A_162 = vector.shape_cast %get3A_161 : vector<16xf32> to vector<16xf32>
      %add3A_163 = arith.addf %get3A_159, %get3A_162 : vector<16xf32>
      %swap3A_164 = arith.constant 0 : i32
      %swap3A_165 = arith.index_cast %swap3A_164 : i32 to index
      %swap3A_166 = arith.constant 160 : index
      %swap3A_167 = tpu.vector_load %arg7[%swap3A_165, %swap3A_166] {strides = array<i32>} : memref<8x256xf32, #tpu.memory_space<vmem>>, vector<1x16xf32>,
      %swap3A_168 = vector.shape_cast %swap3A_167 : vector<1x16xf32> to vector<16xf32>
      %swap3A_169 = vector.shape_cast %add3A_163 : vector<16xf32> to vector<1x16xf32>
      tpu.vector_store %arg7[%swap3A_165, %swap3A_166], %swap3A_169 {strides = array<i32>} : memref<8x256xf32, #tpu.memory_space<vmem>>, vector<1x16xf32>,
      %get3A_170 = arith.constant 0 : i32
      %get3A_171 = arith.index_cast %get3A_170 : i32 to index
      %get3A_172 = arith.constant 176 : index
      %get3A_173 = tpu.vector_load %arg7[%get3A_171, %get3A_172] {strides = array<i32>} : memref<8x256xf32, #tpu.memory_space<vmem>>, vector<1x16xf32>,
      %get3A_174 = vector.shape_cast %get3A_173 : vector<1x16xf32> to vector<16xf32>
      %get3A_175 = arith.constant 176 : index
      %get3A_176 = tpu.vector_load %arg8[%get3A_175] {strides = array<i32>} : memref<256xf32, #tpu.memory_space<vmem>>, vector<16xf32>,
      %get3A_177 = vector.shape_cast %get3A_176 : vector<16xf32> to vector<16xf32>
      %add3A_178 = arith.addf %get3A_174, %get3A_177 : vector<16xf32>
      %swap3A_179 = arith.constant 0 : i32
      %swap3A_180 = arith.index_cast %swap3A_179 : i32 to index
      %swap3A_181 = arith.constant 176 : index
      %swap3A_182 = tpu.vector_load %arg7[%swap3A_180, %swap3A_181] {strides = array<i32>} : memref<8x256xf32, #tpu.memory_space<vmem>>, vector<1x16xf32>,
      %swap3A_183 = vector.shape_cast %swap3A_182 : vector<1x16xf32> to vector<16xf32>
      %swap3A_184 = vector.shape_cast %add3A_178 : vector<16xf32> to vector<1x16xf32>
      tpu.vector_store %arg7[%swap3A_180, %swap3A_181], %swap3A_184 {strides = array<i32>} : memref<8x256xf32, #tpu.memory_space<vmem>>, vector<1x16xf32>,
      %get3A_185 = arith.constant 0 : i32
      %get3A_186 = arith.index_cast %get3A_185 : i32 to index
      %get3A_187 = arith.constant 192 : index
      %get3A_188 = tpu.vector_load %arg7[%get3A_186, %get3A_187] {strides = array<i32>} : memref<8x256xf32, #tpu.memory_space<vmem>>, vector<1x16xf32>,
      %get3A_189 = vector.shape_cast %get3A_188 : vector<1x16xf32> to vector<16xf32>
      %get3A_190 = arith.constant 192 : index
      %get3A_191 = tpu.vector_load %arg8[%get3A_190] {strides = array<i32>} : memref<256xf32, #tpu.memory_space<vmem>>, vector<16xf32>,
      %get3A_192 = vector.shape_cast %get3A_191 : vector<16xf32> to vector<16xf32>
      %add3A_193 = arith.addf %get3A_189, %get3A_192 : vector<16xf32>
      %swap3A_194 = arith.constant 0 : i32
      %swap3A_195 = arith.index_cast %swap3A_194 : i32 to index
      %swap3A_196 = arith.constant 192 : index
      %swap3A_197 = tpu.vector_load %arg7[%swap3A_195, %swap3A_196] {strides = array<i32>} : memref<8x256xf32, #tpu.memory_space<vmem>>, vector<1x16xf32>,
      %swap3A_198 = vector.shape_cast %swap3A_197 : vector<1x16xf32> to vector<16xf32>
      %swap3A_199 = vector.shape_cast %add3A_193 : vector<16xf32> to vector<1x16xf32>
      tpu.vector_store %arg7[%swap3A_195, %swap3A_196], %swap3A_199 {strides = array<i32>} : memref<8x256xf32, #tpu.memory_space<vmem>>, vector<1x16xf32>,
      %get3A_200 = arith.constant 0 : i32
      %get3A_201 = arith.index_cast %get3A_200 : i32 to index
      %get3A_202 = arith.constant 208 : index
      %get3A_203 = tpu.vector_load %arg7[%get3A_201, %get3A_202] {strides = array<i32>} : memref<8x256xf32, #tpu.memory_space<vmem>>, vector<1x16xf32>,
      %get3A_204 = vector.shape_cast %get3A_203 : vector<1x16xf32> to vector<16xf32>
      %get3A_205 = arith.constant 208 : index
      %get3A_206 = tpu.vector_load %arg8[%get3A_205] {strides = array<i32>} : memref<256xf32, #tpu.memory_space<vmem>>, vector<16xf32>,
      %get3A_207 = vector.shape_cast %get3A_206 : vector<16xf32> to vector<16xf32>
      %add3A_208 = arith.addf %get3A_204, %get3A_207 : vector<16xf32>
      %swap3A_209 = arith.constant 0 : i32
      %swap3A_210 = arith.index_cast %swap3A_209 : i32 to index
      %swap3A_211 = arith.constant 208 : index
      %swap3A_212 = tpu.vector_load %arg7[%swap3A_210, %swap3A_211] {strides = array<i32>} : memref<8x256xf32, #tpu.memory_space<vmem>>, vector<1x16xf32>,
      %swap3A_213 = vector.shape_cast %swap3A_212 : vector<1x16xf32> to vector<16xf32>
      %swap3A_214 = vector.shape_cast %add3A_208 : vector<16xf32> to vector<1x16xf32>
      tpu.vector_store %arg7[%swap3A_210, %swap3A_211], %swap3A_214 {strides = array<i32>} : memref<8x256xf32, #tpu.memory_space<vmem>>, vector<1x16xf32>,
      %get3A_215 = arith.constant 0 : i32
      %get3A_216 = arith.index_cast %get3A_215 : i32 to index
      %get3A_217 = arith.constant 224 : index
      %get3A_218 = tpu.vector_load %arg7[%get3A_216, %get3A_217] {strides = array<i32>} : memref<8x256xf32, #tpu.memory_space<vmem>>, vector<1x16xf32>,
      %get3A_219 = vector.shape_cast %get3A_218 : vector<1x16xf32> to vector<16xf32>
      %get3A_220 = arith.constant 224 : index
      %get3A_221 = tpu.vector_load %arg8[%get3A_220] {strides = array<i32>} : memref<256xf32, #tpu.memory_space<vmem>>, vector<16xf32>,
      %get3A_222 = vector.shape_cast %get3A_221 : vector<16xf32> to vector<16xf32>
      %add3A_223 = arith.addf %get3A_219, %get3A_222 : vector<16xf32>
      %swap3A_224 = arith.constant 0 : i32
      %swap3A_225 = arith.index_cast %swap3A_224 : i32 to index
      %swap3A_226 = arith.constant 224 : index
      %swap3A_227 = tpu.vector_load %arg7[%swap3A_225, %swap3A_226] {strides = array<i32>} : memref<8x256xf32, #tpu.memory_space<vmem>>, vector<1x16xf32>,
      %swap3A_228 = vector.shape_cast %swap3A_227 : vector<1x16xf32> to vector<16xf32>
      %swap3A_229 = vector.shape_cast %add3A_223 : vector<16xf32> to vector<1x16xf32>
      tpu.vector_store %arg7[%swap3A_225, %swap3A_226], %swap3A_229 {strides = array<i32>} : memref<8x256xf32, #tpu.memory_space<vmem>>, vector<1x16xf32>,
      %get3A_230 = arith.constant 0 : i32
      %get3A_231 = arith.index_cast %get3A_230 : i32 to index
      %get3A_232 = arith.constant 240 : index
      %get3A_233 = tpu.vector_load %arg7[%get3A_231, %get3A_232] {strides = array<i32>} : memref<8x256xf32, #tpu.memory_space<vmem>>, vector<1x16xf32>,
      %get3A_234 = vector.shape_cast %get3A_233 : vector<1x16xf32> to vector<16xf32>
      %get3A_235 = arith.constant 240 : index
      %get3A_236 = tpu.vector_load %arg8[%get3A_235] {strides = array<i32>} : memref<256xf32, #tpu.memory_space<vmem>>, vector<16xf32>,
      %get3A_237 = vector.shape_cast %get3A_236 : vector<16xf32> to vector<16xf32>
      %add3A_238 = arith.addf %get3A_234, %get3A_237 : vector<16xf32>
      %swap3A_239 = arith.constant 0 : i32
      %swap3A_240 = arith.index_cast %swap3A_239 : i32 to index
      %swap3A_241 = arith.constant 240 : index
      %swap3A_242 = tpu.vector_load %arg7[%swap3A_240, %swap3A_241] {strides = array<i32>} : memref<8x256xf32, #tpu.memory_space<vmem>>, vector<1x16xf32>,
      %swap3A_243 = vector.shape_cast %swap3A_242 : vector<1x16xf32> to vector<16xf32>
      %swap3A_244 = vector.shape_cast %add3A_238 : vector<16xf32> to vector<1x16xf32>
      tpu.vector_store %arg7[%swap3A_240, %swap3A_241], %swap3A_244 {strides = array<i32>} : memref<8x256xf32, #tpu.memory_space<vmem>>, vector<1x16xf32>,
      "tpu.region"() ({
        %run_scoped3A = tpu.sem_alloc : memref<!tpu.dma_semaphore, #tpu.memory_space<semaphore_mem>>
        %dma_start3A_245 = arith.constant 0 : i32
        %dma_start3A_246 = arith.constant 0 : i32
        %dma_start3A_247 = tpu.memref_slice %arg7[%dma_start3A_245, %dma_start3A_246] : memref<8x256xf32, #tpu.memory_space<vmem>> -> memref<1x256xf32, #tpu.memory_space<vmem>>
        %dma_start3A_248 = arith.constant 0 : i32
        %dma_start3A_249 = arith.constant 0 : i32
        %dma_start3A_250 = tpu.memref_slice %arg7[%dma_start3A_248, %dma_start3A_249] : memref<8x256xf32, #tpu.memory_space<vmem>> -> memref<1x256xf32, #tpu.memory_space<vmem>>
        tpu.enqueue_dma source(%dma_start3A_250 : memref<1x256xf32, #tpu.memory_space<vmem>>) target(%arg5 : memref<1x256xf32, #tpu.memory_space<hbm>>) target_semaphore(%run_scoped3A : memref<!tpu.dma_semaphore, #tpu.memory_space<semaphore_mem>>)
        %dma_wait3A_251 = arith.constant 0 : i32
        %dma_wait3A_252 = arith.constant 0 : i32
        %dma_wait3A_253 = tpu.memref_slice %arg7[%dma_wait3A_251, %dma_wait3A_252] : memref<8x256xf32, #tpu.memory_space<vmem>> -> memref<1x256xf32, #tpu.memory_space<vmem>>
        %dma_wait3A_254 = arith.constant 0 : i32
        %dma_wait3A_255 = arith.constant 0 : i32
        %dma_wait3A_256 = tpu.memref_slice %arg7[%dma_wait3A_254, %dma_wait3A_255] : memref<8x256xf32, #tpu.memory_space<vmem>> -> memref<1x256xf32, #tpu.memory_space<vmem>>
        tpu.wait_dma2 semaphore(%run_scoped3A : memref<!tpu.dma_semaphore, #tpu.memory_space<semaphore_mem>>) src(%dma_wait3A_256 : memref<1x256xf32, #tpu.memory_space<vmem>>) dst(%arg5 : memref<1x256xf32, #tpu.memory_space<hbm>>)
        tpu.yield
      }) : () -> ()
    } else {
    }
    return
  }
}

module attributes {stable_mosaic.version = 14 : i64} {
  func.func @_mlp_body(%arg0: i32, %arg1: memref<1x256xf32, #tpu.memory_space<vmem>>, %arg2: memref<3x16384xf32, #tpu.memory_space<vmem>>, %arg3: memref<3x256xf32, #tpu.memory_space<vmem>>, %arg4: memref<256x256xf32, #tpu.memory_space<vmem>>, %arg5: memref<1x256xf32, #tpu.memory_space<vmem>>, %arg6: memref<16384x256xf32, #tpu.memory_space<vmem>>) attributes {dimension_semantics = [#tpu.dimension_semantics<arbitrary>], iteration_bounds = array<i64: 7>, scalar_prefetch = 0 : i64, scratch_operands = 0 : i64, tpu.core_type = #tpu.core_type<tc>, window_params = [{pipeline_mode = #tpu.pipeline_mode<synchronous>, transform_indices = @transform_0, window_bounds = array<i64: 1, 256>}, {transform_indices = @transform_1, window_bounds = array<i64: 3, 16384>}, {pipeline_mode = #tpu.pipeline_mode<synchronous>, transform_indices = @transform_2, window_bounds = array<i64: 3, 256>}, {pipeline_mode = #tpu.pipeline_mode<synchronous>, transform_indices = @transform_3, window_bounds = array<i64: 256, 256>}, {pipeline_mode = #tpu.pipeline_mode<synchronous>, transform_indices = @transform_4, window_bounds = array<i64: 1, 256>}, {transform_indices = @transform_5, window_bounds = array<i64: 16384, 256>}]} {
    %get3A = arith.constant 0 : index
    %get3A_0 = arith.constant 0 : index
    %get3A_1 = vector.load %arg2[%get3A, %get3A_0] : memref<3x16384xf32, #tpu.memory_space<vmem>>, vector<3x16384xf32>
    %get3A_2 = arith.constant 0 : index
    %get3A_3 = arith.constant 0 : index
    %get3A_4 = vector.load %arg3[%get3A_2, %get3A_3] : memref<3x256xf32, #tpu.memory_space<vmem>>, vector<3x256xf32>
    %dot_general3A = arith.constant dense<0.000000e+00> : vector<16384x256xf32>
    %dot_general3A_5 = tpu.matmul %get3A_1, %get3A_4, %dot_general3A {dimension_numbers = #tpu.dot_dimension_numbers<[0], [0], [1], [1], [0, 1, 1, 1], [], []>, transpose_lhs_hint = false} : vector<3x16384xf32>, vector<3x256xf32>, vector<16384x256xf32> -> vector<16384x256xf32>
    %get3A_6 = arith.constant 0 : index
    %get3A_7 = arith.constant 0 : index
    %get3A_8 = vector.load %arg1[%get3A_6, %get3A_7] : memref<1x256xf32, #tpu.memory_space<vmem>>, vector<1x256xf32>
    %add3A = vector.broadcast %get3A_8 : vector<1x256xf32> to vector<16384x256xf32>
    %add3A_9 = arith.addf %dot_general3A_5, %add3A : vector<16384x256xf32>
    %max3A = arith.constant 0.000000e+00 : f32
    %max3A_10 = vector.broadcast %max3A : f32 to vector<16384x256xf32>
    %max3A_11 = arith.maximumf %add3A_9, %max3A_10 : vector<16384x256xf32>
    %get3A_12 = arith.constant 0 : index
    %get3A_13 = arith.constant 0 : index
    %get3A_14 = vector.load %arg4[%get3A_12, %get3A_13] : memref<256x256xf32, #tpu.memory_space<vmem>>, vector<256x256xf32>
    %dot_general3A_15 = arith.constant dense<0.000000e+00> : vector<16384x256xf32>
    %dot_general3A_16 = tpu.matmul %max3A_11, %get3A_14, %dot_general3A_15 {dimension_numbers = #tpu.dot_dimension_numbers<[1], [0], [0], [1], [0, 0, 1, 1], [], []>, transpose_lhs_hint = false} : vector<16384x256xf32>, vector<256x256xf32>, vector<16384x256xf32> -> vector<16384x256xf32>
    %get3A_17 = arith.constant 0 : index
    %get3A_18 = arith.constant 0 : index
    %get3A_19 = vector.load %arg5[%get3A_17, %get3A_18] : memref<1x256xf32, #tpu.memory_space<vmem>>, vector<1x256xf32>
    %add3A_20 = vector.broadcast %get3A_19 : vector<1x256xf32> to vector<16384x256xf32>
    %add3A_21 = arith.addf %dot_general3A_16, %add3A_20 : vector<16384x256xf32>
    %swap3A = arith.constant 0 : index
    %swap3A_22 = arith.constant 0 : index
    %swap3A_23 = vector.load %arg6[%swap3A, %swap3A_22] : memref<16384x256xf32, #tpu.memory_space<vmem>>, vector<16384x256xf32>
    tpu.vector_store %arg6[%swap3A, %swap3A_22], %add3A_21 {strides = array<i32>} : memref<16384x256xf32, #tpu.memory_space<vmem>>, vector<16384x256xf32>,
    return
  }
  func.func @transform_0(%arg0: i32) -> (i32, i32) {
    %c0_i32 = arith.constant 0 : i32
    %c0_i32_0 = arith.constant 0 : i32
    %c0_i32_1 = arith.constant 0 : i32
    return %c0_i32, %c0_i32_0 : i32, i32
  }
  func.func @transform_1(%arg0: i32) -> (i32, i32) {
    %c0_i32 = arith.constant 0 : i32
    %c0_i32_0 = arith.constant 0 : i32
    return %c0_i32, %arg0 : i32, i32
  }
  func.func @transform_2(%arg0: i32) -> (i32, i32) {
    %c0_i32 = arith.constant 0 : i32
    %c0_i32_0 = arith.constant 0 : i32
    %c0_i32_1 = arith.constant 0 : i32
    return %c0_i32, %c0_i32_0 : i32, i32
  }
  func.func @transform_3(%arg0: i32) -> (i32, i32) {
    %c0_i32 = arith.constant 0 : i32
    %c0_i32_0 = arith.constant 0 : i32
    %c0_i32_1 = arith.constant 0 : i32
    return %c0_i32, %c0_i32_0 : i32, i32
  }
  func.func @transform_4(%arg0: i32) -> (i32, i32) {
    %c0_i32 = arith.constant 0 : i32
    %c0_i32_0 = arith.constant 0 : i32
    %c0_i32_1 = arith.constant 0 : i32
    return %c0_i32, %c0_i32_0 : i32, i32
  }
  func.func @transform_5(%arg0: i32) -> (i32, i32) {
    %c0_i32 = arith.constant 0 : i32
    %c0_i32_0 = arith.constant 0 : i32
    return %arg0, %c0_i32 : i32, i32
  }
}

</mosaic_0001>

<sc_bundles>
// kernel: kernel.4.cloned.1.call-start
scs
__scs_entry_jumppad:
0x0: {  	(pc) =	sbr.rel $0x88, $3  }
0x1: {  	(tag) =	ssettag $0x0;
	lr =	simm.s32 $0x1  }
0x2: {  	[smem:$0x3F9A] =	sst lr;
	_ =	strace $0xD0000000  }
0x3: {  	_ = 	snop  }
0x4: {  	_ = 	snop  }
0x5: {  	_ = 	snop  }
0x6: {  	_ = 	snop  }
0x7: {  	_ = 	snop  }
__scs_overlays_trampoline_lowered:
0x8: {  	[smem:$0x3FA9] =	sst s0  }
0x9: {  	[smem:$0x3FAA] =	sst s1  }
0xa: {  	[smem:$0x3FAB] =	sst s2  }
0xb: {  	[smem:$0x3FAC] =	sst s3  }
0xc: {  	[smem:$0x3FAD] =	sst s4  }
0xd: {  	[smem:$0x3FAE] =	sst s5  }
0xe: {  	[smem:$0x3FAF] =	sst s6  }
0xf: {  	[smem:$0x3FB0] =	sst s7  }
0x10: {  	[smem:$0x3FB1] =	sst s8  }
0x11: {  	[smem:$0x3FB2] =	sst s9;
	s0 =	simm.s32 @!p0 $0x0  }
0x12: {  	s1 =	sld [smem:$0x3F98];
	s0 =	simm.s32 @p0 $0x1  }
0x13: {  	[smem:$0x3FB3] =	sst s0;
	s0 =	simm.s32 @!p1 $0x0  }
0x14: {  	s2 =	sld [smem:$0x3F97];
	s0 =	simm.s32 @p1 $0x1  }
0x15: {  	[smem:$0x3FB4] =	sst s0;
	s0 =	simm.s32 @!p2 $0x0  }
0x16: {  	s3 =	sld [smem:$0x3FDB];
	s0 =	simm.s32 @p2 $0x1  }
0x17: {  	s4 =	simm.s32 $0x1BF5;
	[smem:$0x3FB6] =	sst s0  }
0x18: {  	s0 =	sld [smem:$0x3F99];
	_ =	swait.ge [sflag:s4], $0x0  }
0x19: {  	s7 =	sld [smem:$0x3F9A]  }
0x1a: {  	s8 =	sadd.s32 $0xFFFFE003, lr  }
0x1b: {  	s9 =	sadd.s32 $0xFFFFFEF7, lr;
	s5 =	simm.s32 $0xFFFFFFFF;
	p2 =	slt.u32 s8, $0xFFFFF086  }
0x1c: {  	p1 =	slt.u32 s9, $0xF7A;
	s5 =	simm.s32 @!p2 $0x0  }
0x1d: {  	s5 =	simm.s32 @p1 $0x1;
	p0 =	seq.s32 s7, s2  }
0x1e: {  	s7 =	smul.u32 @!p0 $0xF7A, s2;
	p2 =	seq.s32 @!p0 s5, $0x0  }
0x1f: {  	s9 =	smul.u32 $0xF7A, s1;
	s8 =	simm.s32 @!p0 $0x1BF5;
	p2 =	por !p2, p0  }
0x20: {  	[sflag:s8] =	ssyncset.s32 @!p0 $0xFFFFF086;
	s6 =	sadd.s32 @!p0 s3, s7;
	s7 =	simm.s32 @!p0 $0x108  }
0x21: {  	s3 =	sadd.s32 s3, s9;
	s6 =	sadd.s32 @!p0 $0x88, s6;
	s7 =	simm.s32 @p2 $0x1082  }
0x22: {  	[simem:s7], [sflag:s8] =	dma.local @!p0 [hbm:s6], $0xF7A  }
0x23: {  	s9 =	sor.u32 $0xD0000000, s2;
	s6 =	simm.s32 $0x108;
	_ =	swait.ge @!p0 [sflag:s8], $0x0  }
0x24: {  	s3 =	sadd.s32 $0x88, s3;
	s6 =	simm.s32 @!p1 $0x1082;
	[sflag:s4] =	ssyncset.s32 $0xFFFFF086  }
0x25: {  	[simem:s6], [sflag:s4] =	dma.local [hbm:s3], $0xF7A  }
0x26: {  	[smem:$0x3F9A] =	sst s1;
	(tag) =	ssettag s2;
	_ =	strace s9  }
0x27: {  	s1 =	sld [smem:$0x3FAA]  }
0x28: {  	s2 =	sld [smem:$0x3FAB]  }
0x29: {  	s4 =	sld [smem:$0x3FAD]  }
0x2a: {  	p0 =	seq.s32 s5, $0x0;
	s5 =	sld [smem:$0x3FAE]  }
0x2b: {  	s6 =	sld [smem:$0x3FAF]  }
0x2c: {  	s7 =	sld [smem:$0x3FB0]  }
0x2d: {  	s3 =	simm.s32 $0x108;
	s8 =	sld [smem:$0x3FB1]  }
0x2e: {  	s3 =	simm.s32 @!p0 $0x1082;
	s9 =	sld [smem:$0x3FB2]  }
0x2f: {  	lr =	sadd.s32 s0, s3;
	s0 =	sld [smem:$0x3FA9]  }
0x30: {  	s3 =	sld [smem:$0x3FAC]  }
0x31: {  	[smem:$0x3FB5] =	sst s10  }
0x32: {  	s10 =	sld [smem:$0x3FB3];
	_ =	sdelay $0x3  }
0x33: {  	p0 =	seq.s32 s10, $0x1;
	s10 =	sld [smem:$0x3FB5];
	_ =	sdelay $0x3  }
0x34: {  	[smem:$0x3FB5] =	sst s10  }
0x35: {  	s10 =	sld [smem:$0x3FB4];
	_ =	sdelay $0x3  }
0x36: {  	p1 =	seq.s32 s10, $0x1;
	s10 =	sld [smem:$0x3FB5];
	_ =	sdelay $0x3  }
0x37: {  	[smem:$0x3FB5] =	sst s10  }
0x38: {  	s10 =	sld [smem:$0x3FB6]  }
0x39: {  	_ = 	snop;
	(pc) =	sbr.ind lr, $3  }
0x3a: {  	_ = 	snop  }
0x3b: {  	_ = 	snop  }
0x3c: {  	p2 =	seq.s32 s10, $0x1;
	s10 =	sld [smem:$0x3FB5]  }
0x3d: {  	_ =	shalt  }
0x3e: {  	_ =	shalt  }
0x3f: {  	_ =	shalt  }
0x40: {  	_ =	shalt  }
0x41: {  	_ =	shalt  }
0x42: {  	_ =	shalt  }
0x43: {  	_ =	shalt  }
0x44: {  	_ =	shalt  }
0x45: {  	_ =	shalt  }
0x46: {  	_ =	shalt  }
0x47: {  	_ =	shalt  }
0x48: {  	_ =	shalt  }
0x49: {  	_ =	shalt  }
0x4a: {  	_ =	shalt  }
0x4b: {  	_ =	shalt  }
0x4c: {  	_ =	shalt  }
0x4d: {  	_ =	shalt  }
0x4e: {  	_ =	shalt  }
0x4f: {  	_ =	shalt  }
0x50: {  	_ =	shalt  }
0x51: {  	_ =	shalt  }
0x52: {  	_ =	shalt  }
0x53: {  	_ =	shalt  }
0x54: {  	_ =	shalt  }
0x55: {  	_ =	shalt  }
0x56: {  	_ =	shalt  }
0x57: {  	_ =	shalt  }
0x58: {  	_ =	shalt  }
0x59: {  	_ =	shalt  }
0x5a: {  	_ =	shalt  }
0x5b: {  	_ =	shalt  }
0x5c: {  	_ =	shalt  }
0x5d: {  	_ =	shalt  }
0x5e: {  	_ =	shalt  }
0x5f: {  	_ =	shalt  }
0x60: {  	_ =	shalt  }
0x61: {  	_ =	shalt  }
0x62: {  	_ =	shalt  }
0x63: {  	_ =	shalt  }
0x64: {  	_ =	shalt  }
0x65: {  	_ =	shalt  }
0x66: {  	_ =	shalt  }
0x67: {  	_ =	shalt  }
0x68: {  	_ =	shalt  }
0x69: {  	_ =	shalt  }
0x6a: {  	_ =	shalt  }
0x6b: {  	_ =	shalt  }
0x6c: {  	_ =	shalt  }
0x6d: {  	_ =	shalt  }
0x6e: {  	_ =	shalt  }
0x6f: {  	_ =	shalt  }
0x70: {  	_ =	shalt  }
0x71: {  	_ =	shalt  }
0x72: {  	_ =	shalt  }
0x73: {  	_ =	shalt  }
0x74: {  	_ =	shalt  }
0x75: {  	_ =	shalt  }
0x76: {  	_ =	shalt  }
0x77: {  	_ =	shalt  }
0x78: {  	_ =	shalt  }
0x79: {  	_ =	shalt  }
0x7a: {  	_ =	shalt  }
0x7b: {  	_ =	shalt  }
0x7c: {  	_ =	shalt  }
0x7d: {  	_ =	shalt  }
0x7e: {  	_ =	shalt  }
0x7f: {  	_ =	shalt  }
0x80: {  	_ =	shalt  }
0x81: {  	_ =	shalt  }
0x82: {  	_ =	shalt  }
0x83: {  	_ =	shalt  }
0x84: {  	_ =	shalt  }
0x85: {  	_ =	shalt  }
0x86: {  	_ =	shalt  }
0x87: {  	_ =	shalt  }
.Lfunc_end0:
.L_simem_size_0:
called_computation_lowered:
.L_overlay_start_0:
0x88: {  	s2 =	sld [smem:$0x3FD9]  }
0x89: {  	s3 =	sld [smem:$0x3FFE];
	_ =	sdelay $0x1  }
0x8a: {  	s1 =	srdreg.scid  }
0x8b: {  	s0 =	sand.u32 $0x1, s1  }
0x8c: {  	s17 =	sshll.u32 s0, $0xA;
	s2 =	sadd.s32 s3, s2  }
0x8d: {  	s2 =	sadd.s32 s2, s17  }
0x8e: {  	[smem:$0x3FC1] =	sst s2  }
0x8f: {  	_ = 	snop  }
0x90: {  	s2 =	sld [smem:$0x3FC7]  }
0x91: {  	s18 =	sld [smem:$0x3FC5]  }
0x92: {  	s4 =	sld [smem:$0x3FD0];
	(tm) =	ssettm $0x1  }
0x93: {  	s5 =	sld [smem:$0x3FFB];
	_ =	sdelay $0x3  }
0x94: {  	_ =	strace s5  }
0x95: {  	s5 =	sld [smem:$0x3FFC];
	_ =	sdelay $0x3  }
0x96: {  	_ =	strace s5  }
0x97: {  	s5 =	sld [smem:$0x3FFD];
	_ =	sdelay $0x3  }
0x98: {  	_ =	strace s5  }
0x99: {  	_ =	strace $0x8FFFFFFF  }
0x9a: {  	s19 =	sld [smem:$0x3FDB];
	_ =	sdelay $0x1  }
0x9b: {  	s6 =	simm.s32 $_scs_section_size  }
0x9c: {  	s7 =	simm.s32 $_size__tile_overlayer_lowered;
	s8 =	simm.s32 $_tile_overlayer_lowered  }
0x9d: {  	s22 =	simm.s32 $0x1BFF;
	s21 =	sshll.u32 s8, $0x1;
	s5 =	sadd.s32 s6, s19  }
0x9e: {  	s9 =	simm.s32 $0x0;
	s20 =	sshll.u32 s7, $0x1;
	s7 =	sadd.s32 s21, s5  }
0x9f: {  	[timem:s9], [sflag:s22] =	dma.local [hbm:s7], s20  }
0xa0: {  	_ =	swait.ge [sflag:s22], s20  }
0xa1: {  	s6 =	ssub.s32 $0x0, s20;
	[sflag:s22] =	ssyncset.done $0x0  }
0xa2: {  	[sflag:s22] =	ssyncadd.s32 s6;
	_ =	sdelay $0x1  }
0xa3: {  	s23 =	simm.s32 $0x1B8B  }
0xa4: {  	_ =	swait.ge [sflag:s23], $0x1  }
0xa5: {  	[sflag:s23] =	ssyncset.done $0x0  }
0xa6: {  	s25 =	simm.s32 $0x1B8E;
	s24 =	sld [smem:$0x3FFE];
	[sflag:s23] =	ssyncadd.s32 $0xFFFFFFFF  }
0xa7: {  	s26 =	simm.s32 $execute0_lowered;
	[smem:$0x3FD2] =	sst s25  }
0xa8: {  	s7 =	sshll.u32 s26, $0x1;
	_ =	strace $0x80000046;
	[dreg:$0x1] =	wrdreg $0xFFFFFFFF  }
0xa9: {  	s28 =	simm.s32 $_size_execute0_lowered;
	s5 =	sadd.s32 s5, s7;
	[dreg:$0x0] =	wrdreg $0x0  }
0xaa: {  	s7 =	sshll.u32 s28, $0x1;
	[dreg:$0x2] =	wrdreg s5  }
0xab: {  	[dreg:$0x3] =	wrdreg s7  }
0xac: {  	[dreg:$0x4] =	wrdreg $0xC0  }
0xad: {  	_ =	task [dreg:s9], $0x5FFFF  }
0xae: {  	[dreg:$0x1] =	wrdreg $0xFFFFFFFF  }
0xaf: {  	[dreg:$0x0] =	wrdreg $0x60  }
0xb0: {  	[dreg:$0x2] =	wrdreg s2  }
0xb1: {  	[dreg:$0x3] =	wrdreg s24  }
0xb2: {  	[dreg:$0x4] =	wrdreg s18  }
0xb3: {  	[dreg:$0x5] =	wrdreg s4  }
0xb4: {  	[dreg:$0x6] =	wrdreg $0x9  }
0xb5: {  	_ =	task.clear_ibuf [dreg:s9], $0x7FFFF;
	_ =	strace $0x90000046  }
0xb6: {  	s29 =	simm.s32 $0x9;
	_ =	strace $0x80000048  }
0xb7: {  	_ =	swait.ge [sflag:s29], $0x1  }
0xb8: {  	[sflag:s29] =	ssyncadd.s32 $0xFFFFFFFF  }
0xb9: {  	_ =	strace $0x90000048  }
0xba: {  	_ =	sfence  }
0xbb: {  	s30 =	sld [smem:$0x0];
	_ =	sdelay $0x2  }
0xbc: {  	s31 =	sshll.u32 s1, $0xD;
	s1 =	sshrl.u32 s1, $0x2  }
0xbd: {  	s3 =	sand.u32 $0x4000, s31;
	s1 =	sadd.s32 s1, s30  }
0xbe: {  	s0 =	sor.u32 s3, s0;
	s1 =	sshll.u32 s1, $0x11  }
0xbf: {  	s0 =	sor.u32 s1, s0  }
0xc0: {  	s0 =	sadd.s32 $0x8F2B, s0  }
0xc1: {  	[sflag:s0] =	ssyncadd.remote.s32 $0x1  }
0xc2: {  	_ =	sfence.sel $0xFFFF  }
0xc3: {  	[dreg:$0x0] =	wrdreg $0xFFFFFFFF;
	(pc) =	sbr.abs _section_cstart, $3  }
0xc4: {  	[dreg:$0x1] =	wrdreg $0xFFFFFFFF  }
0xc5: {  	_ =	task.clear_ibuf [dreg:s9], $0x2FFFF;
	_ =	strace $0x9FFFFFFF  }
0xc6: {  	(tm) =	ssettm $0x7FFFFFFF  }
0xc7: {  	_ =	shalt  }
tec
execute0_lowered:
.L_overlay_start_1:
0x0: {  	(tag) =	ssettag $0x1  }
0x1: {  	s0 =	srdreg.scid  }
0x2: {  	s8 =	sand.u32 $0x1, s0;
	s0 =	stileid.u32  }
0x3: {  	s4 =	sshll.u32 s0, $0x1;
	s5 =	ssub.s32 $0x0, s8  }
0x4: {  	p0 =	sne.s32 s4, s5  }
.Ltmp0:
0x5: {  	s6 =	rddreg [dreg:$0x0];
	(pc) =	sbr.rel @p0 .LBB2_4-.Ltmp0, $4  }
0x6: {  	s3 =	rddreg [dreg:$0x1]  }
0x7: {  	s7 =	rddreg [dreg:$0x2]  }
0x8: {  	s2 =	rddreg [dreg:$0x3]  }
0x9: {  	s1 =	rddreg [dreg:$0x4];
	_ =	strace $0x80000047  }
0xa: {  	s10 =	sadd.s32 $0xE00, s3;
	s4 =	simm.s32 $0x0;
	s3 =	simm.s32 $0x2  }
0xb: {  	[tilespmem:s4], [sflag:$0x2] =	stream.linear.gather [hbm4b:s10+s4], $0x80, $0x38;
	[tilespmem:$0x980] =	vst v63  }
0xc: {  	_ =	swait.ge [sflag:s3], $0x80  }
0xd: {  	[sflag:s3] =	ssyncset.done $0x0  }
0xe: {  	[sflag:s3] =	ssyncadd.s32 $0xFFFFFF80  }
0xf: {  	v0 =	vld.msk [tilespmem:$0x0], $0xff;
	_ =	sdelay $0x4  }
0x10: {  	v1 =	vshll.u32 v0, $0x1  }
0x11: {  	v2 =	vlaneseq.u32;
	v3 =	vand.u32 $0x3, v0;
	v1 =	vand.u32 $0xFFFFFFF8, v1  }
0x12: {  	v0 =	vand.u32 $0x7, v2;
	v2 =	vshrl.u32 v2, $0x3;
	v3 =	vor.u32 v3, v1  }
0x13: {  	v1 =	vmul.u32 $0x4, v2;
	v2 =	vperm.xlane v3, v0;
	_ =	sdelay $0x1  }
0x14: {  	v2 =	vadd.s32 v1, v2;
	_ =	sdelay $0x3  }
0x15: {  	vm0 =	vmmov $0xffff;
	s5 =	simm.s32 $0x80;
	s11 =	simm.s32 $0x1  }
0x16: {  	[tilespmem:s5], [sflag:$0x1] =	stream.indirect_vreg.gather [hbm4b:s6+s4], $0x80, v2, vm0, $0xb8;
	[tilespmem:$0x980] =	vst v63  }
0x17: {  	_ =	swait.ge [sflag:s11], $0x800  }
0x18: {  	[sflag:s11] =	ssyncset.done $0x0  }
0x19: {  	s12 =	simm.s32 $0x880;
	[sflag:s11] =	ssyncadd.s32 $0xFFFFF800  }
0x1a: {  	[tilespmem:s12], [sflag:$0x2] =	stream.linear.gather [hbm4b:s7+s4], $0x100, $0x38;
	[tilespmem:$0x980] =	vst v63  }
0x1b: {  	_ =	swait.ge [sflag:s3], $0x100  }
0x1c: {  	[sflag:s3] =	ssyncset.done $0x0  }
0x1d: {  	[sflag:s3] =	ssyncadd.s32 $0xFFFFFF00  }
0x1e: {  	v2 =	vld [tilespmem:$0x970]  }
0x1f: {  	v5 =	vld [tilespmem:$0x920]  }
0x20: {  	v3 =	vld [tilespmem:$0x940]  }
0x21: {  	s8 =	ssub.s32 $0x2, s8;
	v4 =	vld [tilespmem:$0x4C0]  }
0x22: {  	s9 =	sshrl.u32 s8, $0x1;
	v6 =	vld [tilespmem:$0x4A0]  }
0x23: {  	s8 =	ssub.s32 s8, s9;
	v7 =	vld [tilespmem:$0x4B0]  }
0x24: {  	s13 =	smax.u32 s8, $0x1;
	v8 =	vld [tilespmem:$0x930]  }
0x25: {  	p0 =	sne.s32 s13, $0x1;
	v9 =	vld [tilespmem:$0x910]  }
.Ltmp1:
0x26: {  	v10 =	vld [tilespmem:$0x8F0];
	(pc) =	sbr.rel @!p0 .LBB2_3-.Ltmp1, $4  }
0x27: {  	v11 =	vld [tilespmem:$0xF0]  }
0x28: {  	v13 =	vld [tilespmem:$0x480]  }
0x29: {  	v14 =	vld [tilespmem:$0x900]  }
0x2a: {  	s9 =	simm.s32 $0x480;
	s8 =	sadd.s32 $0x10, s2;
	s13 =	sadd.s32 $0xFFFFFFFF, s13;
	v12 =	vld [tilespmem:$0x490]  }
.LBB2_2:
0x2b: {  	p0 =	sne.s32 s13, $0x1;
	s13 =	sadd.s32 $0xFFFFFFFF, s13;
	v15 =	vld [tilespmem:$0x8E0]  }
0x2c: {  	v16 =	vld [tilespmem:$0xE0]  }
0x2d: {  	v17 =	vld [tilespmem:$0xD0]  }
0x2e: {  	v18 =	vld [tilespmem:$0x8C0]  }
0x2f: {  	v19 =	vld [tilespmem:$0x8D0]  }
0x30: {  	v20 =	vld [tilespmem:$0x8B0]  }
0x31: {  	v21 =	vld [tilespmem:$0xB0];
	v15 =	vadd.f32 v15, v16  }
0x32: {  	v16 =	vld [tilespmem:$0xA0]  }
0x33: {  	v13 =	vadd.f32 v14, v13;
	v22 =	vld [tilespmem:$0xC0];
	[tilespmem:$0xE0] =	vst v15  }
0x34: {  	v14 =	vld [tilespmem:$0x8A0];
	v15 =	vadd.f32 v19, v17  }
0x35: {  	v17 =	vld [tilespmem:$0x890];
	[tilespmem:$0x480] =	vst v13  }
0x36: {  	v10 =	vadd.f32 v10, v11;
	v13 =	vld [tilespmem:$0x90];
	v19 =	vadd.f32 v20, v21;
	[tilespmem:$0xD0] =	vst v15  }
0x37: {  	v9 =	vadd.f32 v9, v12;
	v11 =	vld [tilespmem:$0x4F0]  }
0x38: {  	v12 =	vld [tilespmem:$0x880];
	[tilespmem:$0xB0] =	vst v19;
	v15 =	vadd.f32 v18, v22  }
0x39: {  	v18 =	vld [tilespmem:$0x80];
	v14 =	vadd.f32 v14, v16;
	[tilespmem:$0xF0] =	vst v10  }
0x3a: {  	v7 =	vadd.f32 v8, v7;
	[tilespmem:$0x490] =	vst v9;
	v8 =	vld [tilespmem:$0x960]  }
0x3b: {  	v9 =	vadd.f32 v17, v13;
	[tilespmem:$0xC0] =	vst v15;
	v10 =	vld [tilespmem:$0x4E0]  }
0x3c: {  	v5 =	vadd.f32 v5, v6;
	[tilespmem:$0xA0] =	vst v14;
	v6 =	vld [tilespmem:$0x950]  }
0x3d: {  	v3 =	vadd.f32 v3, v4;
	v2 =	vadd.f32 v2, v11;
	[tilespmem:$0x4B0] =	vst v7;
	v4 =	vld [tilespmem:$0x4D0]  }
0x3e: {  	v7 =	vadd.f32 v12, v18;
	[tilespmem:$0x4A0] =	vst v5  }
0x3f: {  	[tilespmem:$0x4F0] =	vst v2  }
0x40: {  	[tilespmem:$0x4C0] =	vst v3;
	v2 =	vadd.f32 v8, v10  }
0x41: {  	[tilespmem:$0x80] =	vst v7  }
0x42: {  	[tilespmem:$0x90] =	vst v9;
	v3 =	vadd.f32 v6, v4  }
0x43: {  	[tilespmem:$0x4E0] =	vst v2  }
0x44: {  	[tilespmem:$0x4D0] =	vst v3  }
0x45: {  	[hbm4b:s2+s4] =	stream.linear.scatter [tilespmem:s5], [sflag:$0x2], $0x80, $0x38;
	[tilespmem:$0x980] =	vst v63  }
0x46: {  	_ = 	snop  }
0x47: {  	[hbm4b:s8+s4] =	stream.linear.scatter [tilespmem:s9], [sflag:$0x2], $0x80, $0x38;
	[tilespmem:$0x980] =	vst v63  }
0x48: {  	_ =	swait.ge [sflag:s3], $0x100  }
0x49: {  	[sflag:s3] =	ssyncset.done $0x0  }
0x4a: {  	[sflag:s3] =	ssyncadd.s32 $0xFFFFFF00  }
0x4b: {  	[tilespmem:s4], [sflag:$0x2] =	stream.linear.gather [hbm4b:s10+s4], $0x80, $0x38;
	[tilespmem:$0x980] =	vst v63  }
0x4c: {  	_ =	swait.ge [sflag:s3], $0x80  }
0x4d: {  	[sflag:s3] =	ssyncset.done $0x0  }
0x4e: {  	[sflag:s3] =	ssyncadd.s32 $0xFFFFFF80  }
0x4f: {  	v2 =	vld.msk [tilespmem:$0x0], $0xff;
	_ =	sdelay $0x4  }
0x50: {  	v3 =	vshll.u32 v2, $0x1  }
0x51: {  	v2 =	vand.u32 $0x3, v2;
	v3 =	vand.u32 $0xFFFFFFF8, v3  }
0x52: {  	v2 =	vor.u32 v2, v3  }
0x53: {  	v2 =	vperm.xlane v2, v0;
	_ =	sdelay $0x1  }
0x54: {  	v2 =	vadd.s32 v1, v2;
	_ =	sdelay $0x4  }
0x55: {  	[tilespmem:s5], [sflag:$0x1] =	stream.indirect_vreg.gather [hbm4b:s6+s4], $0x80, v2, vm0, $0xb8;
	[tilespmem:$0x980] =	vst v63  }
0x56: {  	_ =	swait.ge [sflag:s11], $0x800  }
0x57: {  	[sflag:s11] =	ssyncset.done $0x0  }
0x58: {  	[sflag:s11] =	ssyncadd.s32 $0xFFFFF800  }
0x59: {  	[tilespmem:s12], [sflag:$0x2] =	stream.linear.gather [hbm4b:s7+s4], $0x100, $0x38;
	[tilespmem:$0x980] =	vst v63  }
0x5a: {  	_ =	swait.ge [sflag:s3], $0x100  }
0x5b: {  	[sflag:s3] =	ssyncset.done $0x0  }
0x5c: {  	[sflag:s3] =	ssyncadd.s32 $0xFFFFFF00  }
0x5d: {  	v2 =	vld [tilespmem:$0x970]  }
0x5e: {  	v5 =	vld [tilespmem:$0x920]  }
0x5f: {  	v3 =	vld [tilespmem:$0x940]  }
0x60: {  	v4 =	vld [tilespmem:$0x4C0]  }
0x61: {  	v6 =	vld [tilespmem:$0x4A0]  }
0x62: {  	v7 =	vld [tilespmem:$0x4B0]  }
0x63: {  	v8 =	vld [tilespmem:$0x930]  }
0x64: {  	v9 =	vld [tilespmem:$0x910]  }
.Ltmp2:
0x65: {  	v10 =	vld [tilespmem:$0x8F0];
	(pc) =	sbr.rel @p0 .LBB2_2-.Ltmp2, $4  }
0x66: {  	v11 =	vld [tilespmem:$0xF0]  }
0x67: {  	v13 =	vld [tilespmem:$0x480]  }
0x68: {  	v14 =	vld [tilespmem:$0x900]  }
0x69: {  	v12 =	vld [tilespmem:$0x490]  }
.LBB2_3:
0x6a: {  	v0 =	vld [tilespmem:$0x8E0]  }
0x6b: {  	v1 =	vld [tilespmem:$0xE0]  }
0x6c: {  	v15 =	vld [tilespmem:$0xD0]  }
0x6d: {  	v16 =	vld [tilespmem:$0x8C0]  }
0x6e: {  	v17 =	vld [tilespmem:$0x8D0]  }
0x6f: {  	v18 =	vld [tilespmem:$0x8B0]  }
0x70: {  	v19 =	vld [tilespmem:$0xB0]  }
0x71: {  	v20 =	vld [tilespmem:$0xA0]  }
0x72: {  	v45 =	vld [tilespmem:$0xC0];
	v7 =	vadd.f32 v8, v7  }
0x73: {  	v46 =	vld [tilespmem:$0x8A0];
	v58 =	vadd.f32 v5, v6  }
0x74: {  	v48 =	vld [tilespmem:$0x890];
	v3 =	vadd.f32 v3, v4;
	[tilespmem:$0x4B0] =	vst v7  }
0x75: {  	v49 =	vld [tilespmem:$0x90];
	v51 =	vadd.f32 v10, v11;
	[tilespmem:$0x4A0] =	vst v58  }
0x76: {  	v52 =	vld [tilespmem:$0x4F0];
	[tilespmem:$0x4C0] =	vst v3;
	v13 =	vadd.f32 v14, v13  }
0x77: {  	v53 =	vld [tilespmem:$0x880];
	[tilespmem:$0xF0] =	vst v51;
	v9 =	vadd.f32 v9, v12  }
0x78: {  	v54 =	vld [tilespmem:$0x80];
	v0 =	vadd.f32 v0, v1;
	[tilespmem:$0x480] =	vst v13  }
0x79: {  	v56 =	vld [tilespmem:$0x960];
	v47 =	vadd.f32 v17, v15;
	[tilespmem:$0x490] =	vst v9  }
0x7a: {  	v59 =	vld [tilespmem:$0x950];
	v50 =	vadd.f32 v18, v19;
	[tilespmem:$0xE0] =	vst v0  }
0x7b: {  	v60 =	vld [tilespmem:$0x4D0];
	v1 =	vadd.f32 v16, v45;
	[tilespmem:$0xD0] =	vst v47  }
0x7c: {  	v57 =	vld [tilespmem:$0x4E0];
	v55 =	vadd.f32 v46, v20;
	[tilespmem:$0xB0] =	vst v50  }
0x7d: {  	v2 =	vadd.f32 v2, v52;
	[tilespmem:$0xC0] =	vst v1  }
0x7e: {  	v61 =	vadd.f32 v53, v54;
	[tilespmem:$0xA0] =	vst v55  }
0x7f: {  	v62 =	vadd.f32 v48, v49;
	[tilespmem:$0x4F0] =	vst v2  }
0x80: {  	v63 =	vadd.f32 v59, v60;
	[tilespmem:$0x80] =	vst v61  }
0x81: {  	v1 =	vadd.f32 v56, v57;
	[tilespmem:$0x90] =	vst v62  }
0x82: {  	[tilespmem:$0x4D0] =	vst v63  }
0x83: {  	[tilespmem:$0x4E0] =	vst v1  }
0x84: {  	[hbm4b:s2+s4] =	stream.linear.scatter [tilespmem:s5], [sflag:$0x2], $0x80, $0x38;
	[tilespmem:$0x980] =	vst v63  }
0x85: {  	_ = 	snop  }
0x86: {  	[hbm4b:s8+s4] =	stream.linear.scatter [tilespmem:s9], [sflag:$0x2], $0x80, $0x38;
	[tilespmem:$0x980] =	vst v63  }
0x87: {  	_ =	swait.ge [sflag:s3], $0x100  }
0x88: {  	[sflag:s3] =	ssyncset.done $0x0  }
0x89: {  	[sflag:s3] =	ssyncadd.s32 $0xFFFFFF00  }
.LBB2_4:
0x8a: {  	_ =	sfence.sel $0x180000  }
0x8b: {  	[bflag:$0x0] =	sbarrier.arrive $0xFFFF  }
0x8c: {  	p0 =	sne.s32 s0, $0x0;
	_ =	strace $0x90000047  }
0x8d: {  	s0 =	sadd.s32 @!p0 $0x100000, s1;
	[bflag:$0x2] =	sbarrier.arrive $0xFFFF  }
0x8e: {  	[sflag:s0] =	ssyncadd.tile.s32 @!p0 $0x1;
	_ =	shalt  }
.Lfunc_end2:
_tile_overlayer_lowered:
.L_overlay_start_2:
0x8f: {  	(tag) =	ssettag $0x2  }
0x90: {  	s0 =	rddreg [dreg:$0x0];
	s2 =	stileid.u32  }
0x91: {  	s1 =	rddreg [dreg:$0x1];
	p0 =	sne.s32 s2, $0x0  }
0x92: {  	s3 =	rddreg [dreg:$0x2];
	[bflag:$0x3] =	sbarrier.arrive $0xFFFF;
	s2 =	simm.s32 @!p0 $0x1C02  }
0x93: {  	[timem:s3], [sflag:s2] =	dma.local @!p0 [hbm:s0], s1  }
0x94: {  	s0 =	simm.s32 @!p0 $0x2  }
0x95: {  	_ =	swait.ge @!p0 [sflag:s0], s1  }
0x96: {  	s1 =	ssub.s32 @!p0 $0x0, s1;
	[sflag:s0] =	ssyncset.done @!p0 $0x0  }
0x97: {  	[sflag:s0] =	ssyncadd.s32 @!p0 s1  }
0x98: {  	[bflag:$0x3] =	sbarrier.arrive $0xFFFF  }
0x99: {  	_ =	shalt  }

</sc_bundles>
